<compile_context>
chip_gen: v7x
topology: tpu7x:2x2x1
jax: 0.10.2.dev20260603
libtpu: 0.0.44.dev20260713+nightly
codegen_flags: <defaults>
</compile_context>

<pallas_src>
import functools

import jax
import jax.numpy as jnp
import numpy as np
from jax import lax
from jax.experimental import pallas as pl
from jax.experimental.pallas import tpu as pltpu
from jax.experimental.pallas import tpu_sc as plsc

_B = 4096
_D = 128
_BLK = 4096
_NSPLIT = 1
_RSQ = float(1.0 / np.sqrt(1.0 + 1e-5))


def _sc_gather_pair(user_idx, item_idx, user_emb, item_emb):
    nb = user_idx.shape[0]
    info = plsc.get_sparse_core_info()
    nw = info.num_cores * info.num_subcores
    bpw = nb // nw
    mesh = plsc.VectorSubcoreMesh(core_axis_name="c", subcore_axis_name="s")

    @functools.partial(
        pl.kernel,
        mesh=mesh,
        out_type=(
            jax.ShapeDtypeStruct((nb, _D), jnp.float32),
            jax.ShapeDtypeStruct((nb, _D), jnp.float32),
        ),
        scratch_types=[
            pltpu.VMEM((bpw,), jnp.int32),
            pltpu.VMEM((bpw,), jnp.int32),
            pltpu.VMEM((bpw, _D), jnp.float32),
            pltpu.VMEM((bpw, _D), jnp.float32),
            pltpu.SemaphoreType.DMA,
            pltpu.SemaphoreType.DMA,
            pltpu.SemaphoreType.DMA,
        ],
    )
    def k(uidx_hbm, iidx_hbm, uemb_hbm, iemb_hbm, ue_out, ie_out,
          uidx_v, iidx_v, urows_v, irows_v, semu, semi, semw):
        wid = lax.axis_index("s") * info.num_cores + lax.axis_index("c")
        base = wid * bpw
        lu = pltpu.async_copy(uidx_hbm.at[pl.ds(base, bpw)], uidx_v, semu)
        li = pltpu.async_copy(iidx_hbm.at[pl.ds(base, bpw)], iidx_v, semi)
        lu.wait()
        cu = pltpu.async_copy(uemb_hbm.at[uidx_v], urows_v, semu)
        li.wait()
        ci = pltpu.async_copy(iemb_hbm.at[iidx_v], irows_v, semi)
        cu.wait()
        wu = pltpu.async_copy(urows_v, ue_out.at[pl.ds(base, bpw)], semw)
        ci.wait()
        wi = pltpu.async_copy(irows_v, ie_out.at[pl.ds(base, bpw)], semw)
        wu.wait()
        wi.wait()

    return k(user_idx, item_idx, user_emb, item_emb)


def _onehot32(idx_row):
    rows = lax.broadcasted_iota(jnp.int32, (32, _BLK), 0)
    eq = rows == jnp.broadcast_to(idx_row, (32, _BLK))
    return jnp.where(eq, 1.0, 0.0).astype(jnp.bfloat16)


def _tc_body(cidx_ref, sidx_ref, uf_ref, ue_ref, if_ref, ie_ref,
             cemb_ref, semb_ref,
             uW1_ref, ub1_ref, ug1_ref, ube1_ref, uW2_ref, ub2_ref, ug2_ref,
             ube2_ref, uW3_ref, ub3_ref,
             iW1_ref, ib1_ref, ig1_ref, ibe1_ref, iW2_ref, ib2_ref, ig2_ref,
             ibe2_ref, iW3_ref, ib3_ref,
             out_ref):
    f32 = jnp.float32
    bf16 = jnp.bfloat16
    dnt = (((0,), (0,)), ((), ()))
    ce = lax.dot_general(_onehot32(cidx_ref[0]), cemb_ref[...], dnt,
                         preferred_element_type=f32).astype(bf16)
    se = lax.dot_general(_onehot32(sidx_ref[0]), semb_ref[...], dnt,
                         preferred_element_type=f32).astype(bf16)

    def tower(x, W1, b1, g1, be1, W2, b2, g2, be2, W3, b3):
        h = jnp.maximum(
            jnp.dot(x, W1.astype(bf16), preferred_element_type=f32) + b1, 0.0)
        h = h * (g1 * _RSQ) + be1
        h = jnp.maximum(
            jnp.dot(h.astype(bf16), W2.astype(bf16),
                    preferred_element_type=f32) + b2, 0.0)
        h = h * (g2 * _RSQ) + be2
        return jnp.dot(h.astype(bf16), W3.astype(bf16),
                       preferred_element_type=f32) + b3

    uin = jnp.concatenate(
        [uf_ref[...].astype(bf16), ue_ref[...].astype(bf16), ce, se], axis=-1)
    uv = tower(uin, uW1_ref[...], ub1_ref[...], ug1_ref[...], ube1_ref[...],
               uW2_ref[...], ub2_ref[...], ug2_ref[...], ube2_ref[...],
               uW3_ref[...], ub3_ref[...])
    iin = jnp.concatenate(
        [if_ref[...].astype(bf16), ie_ref[...].astype(bf16)], axis=-1)
    iv = tower(iin, iW1_ref[...], ib1_ref[...], ig1_ref[...], ibe1_ref[...],
               iW2_ref[...], ib2_ref[...], ig2_ref[...], ibe2_ref[...],
               iW3_ref[...], ib3_ref[...])
    m = lax.transpose(uv * iv, (1, 0))
    out_ref[...] = jnp.sum(m, axis=0, keepdims=True)[None]


def _tc_towers(cidx3, sidx3, uf, ue, itf, ie, cembp, sembp, uw, iw):
    nb = uf.shape[0]
    g = nb // _BLK
    row = pl.BlockSpec((_BLK, _D), lambda i: (i, 0))
    idxspec = pl.BlockSpec((1, 1, _BLK), lambda i: (i, 0, 0))

    def full(a):
        shp = a.shape
        return pl.BlockSpec(shp, (lambda i: (0,) * len(shp)))

    in_specs = ([idxspec, idxspec, row, row, row, row, full(cembp), full(sembp)]
                + [full(w) for w in uw] + [full(w) for w in iw])
    return pl.pallas_call(
        _tc_body,
        grid=(g,),
        in_specs=in_specs,
        out_specs=pl.BlockSpec((1, 1, _BLK), lambda i: (i, 0, 0)),
        out_shape=jax.ShapeDtypeStruct((g, 1, _BLK), jnp.float32),
    )(cidx3, sidx3, uf, ue, itf, ie, cembp, sembp, *uw, *iw)


def kernel(user_idx, user_features, user_color_idx, user_size_idx, item_idx,
           item_features, user_emb, item_emb, color_emb, size_emb,
           uW1, ub1, ug1, ube1, uW2, ub2, ug2, ube2, uW3, ub3,
           iW1, ib1, ig1, ibe1, iW2, ib2, ig2, ibe2, iW3, ib3):
    bf16 = jnp.bfloat16
    cembp = jnp.pad(color_emb, ((0, 32 - color_emb.shape[0]), (0, 0))).astype(bf16)
    sembp = jnp.pad(size_emb, ((0, 32 - size_emb.shape[0]), (0, 0))).astype(bf16)
    uw = (uW1, ub1, ug1, ube1, uW2, ub2, ug2, ube2, uW3, ub3)
    iw = (iW1, ib1, ig1, ibe1, iW2, ib2, ig2, ibe2, iW3, ib3)
    uidx = user_idx.astype(jnp.int32)
    iidx = item_idx.astype(jnp.int32)
    cidx = user_color_idx.astype(jnp.int32)
    sidx = user_size_idx.astype(jnp.int32)
    nh = _B // _NSPLIT
    outs = []
    for h in range(_NSPLIT):
        sl = slice(h * nh, (h + 1) * nh)
        ue, ie = _sc_gather_pair(uidx[sl], iidx[sl], user_emb, item_emb)
        cidx3 = cidx[sl].reshape(nh // _BLK, 1, _BLK)
        sidx3 = sidx[sl].reshape(nh // _BLK, 1, _BLK)
        outs.append(_tc_towers(cidx3, sidx3, user_features[sl], ue,
                               item_features[sl], ie, cembp, sembp, uw, iw))
    return jnp.concatenate(outs, axis=0).reshape(_B, 1)

# --- scband reference (transcript-rebuilt; emitter-appended) ---
"""Pipeline reference for scband-two-tower-model-14551349199466 (READ-ONLY COPY).

The authoritative reference and input builder live on the scoring server;
editing this copy changes nothing except your own understanding.
"""

import jax, jax.numpy as jnp
import numpy as np


def _bn(x, g, b):
    # eval-mode BatchNorm1d with freshly-initialized running stats (mean=0, var=1)
    return x / jnp.sqrt(1.0 + 1e-5) * g + b


def _tower(x, W1, b1, g1, be1, W2, b2, g2, be2, W3, b3):
    h = jnp.maximum(x @ W1 + b1, 0.0)
    h = _bn(h, g1, be1)
    h = jnp.maximum(h @ W2 + b2, 0.0)
    h = _bn(h, g2, be2)
    return h @ W3 + b3


def setup_inputs(seed: int = 0):
    key = jax.random.key(seed)
    ks = jax.random.split(key, 32)
    B = 4096; D = 128; UF = 128; IF = 128; H1 = 256; H2 = 128
    NU = 1000000; NI = 100000

    def xav(k, shape):
        lim = float(np.sqrt(6.0 / (shape[0] + shape[1])))
        return jax.random.uniform(k, shape, jnp.float32, -lim, lim)

    return {
        "user_idx": jax.random.randint(ks[0], (B,), 0, NU),
        "user_features": jax.random.normal(ks[1], (B, UF), jnp.float32),
        "user_color_idx": jax.random.randint(ks[2], (B,), 0, 22),
        "user_size_idx": jax.random.randint(ks[3], (B,), 0, 18),
        "item_idx": jax.random.randint(ks[4], (B,), 0, NI),
        "item_features": jax.random.normal(ks[5], (B, IF), jnp.float32),
        "user_emb": xav(ks[6], (NU, D)),
        "item_emb": xav(ks[7], (NI, D)),
        "color_emb": xav(ks[8], (22, D)),
        "size_emb": xav(ks[9], (18, D)),
        "uW1": xav(ks[10], (UF + 3 * D, H1)), "ub1": jnp.zeros((H1,), jnp.float32),
        "ug1": jnp.ones((H1,), jnp.float32), "ube1": jnp.zeros((H1,), jnp.float32),
        "uW2": xav(ks[11], (H1, H2)), "ub2": jnp.zeros((H2,), jnp.float32),
        "ug2": jnp.ones((H2,), jnp.float32), "ube2": jnp.zeros((H2,), jnp.float32),
        "uW3": xav(ks[12], (H2, D)), "ub3": jnp.zeros((D,), jnp.float32),
        "iW1": xav(ks[13], (IF + D, H1)), "ib1": jnp.zeros((H1,), jnp.float32),
        "ig1": jnp.ones((H1,), jnp.float32), "ibe1": jnp.zeros((H1,), jnp.float32),
        "iW2": xav(ks[14], (H1, H2)), "ib2": jnp.zeros((H2,), jnp.float32),
        "ig2": jnp.ones((H2,), jnp.float32), "ibe2": jnp.zeros((H2,), jnp.float32),
        "iW3": xav(ks[15], (H2, D)), "ib3": jnp.zeros((D,), jnp.float32),
    }


def reference(user_idx, user_features, user_color_idx, user_size_idx, item_idx, item_features,
              user_emb, item_emb, color_emb, size_emb,
              uW1, ub1, ug1, ube1, uW2, ub2, ug2, ube2, uW3, ub3,
              iW1, ib1, ig1, ibe1, iW2, ib2, ig2, ibe2, iW3, ib3):
    ue = jnp.take(user_emb, user_idx, axis=0)
    ce = jnp.take(color_emb, user_color_idx, axis=0)
    se = jnp.take(size_emb, user_size_idx, axis=0)
    uin = jnp.concatenate([user_features, ue, ce, se], axis=-1)
    uv = _tower(uin, uW1, ub1, ug1, ube1, uW2, ub2, ug2, ube2, uW3, ub3)
    ie = jnp.take(item_emb, item_idx, axis=0)
    iin = jnp.concatenate([item_features, ie], axis=-1)
    iv = _tower(iin, iW1, ib1, ig1, ibe1, iW2, ib2, ig2, ibe2, iW3, ib3)
    score = jnp.sum(uv * iv, axis=-1, keepdims=True)
    return score

if __name__ == "__main__":
    import jax
    _d = setup_inputs()
    print(jax.jit(kernel)(*tuple(_d.values())))

</pallas_src>

<mosaic_0001>
#map = affine_map<(d0, d1) -> (0)>
#map1 = affine_map<(d0, d1) -> (0, 0)>
module attributes {stable_mosaic.version = 14 : i64} {
  func.func @k(%arg0: i32, %arg1: i32, %arg2: memref<4096xi32, #tpu.memory_space<hbm>>, %arg3: memref<4096xi32, #tpu.memory_space<hbm>>, %arg4: memref<1000000x128xf32, #tpu.memory_space<hbm>>, %arg5: memref<100000x128xf32, #tpu.memory_space<hbm>>, %arg6: memref<4096x128xf32, #tpu.memory_space<hbm>>, %arg7: memref<4096x128xf32, #tpu.memory_space<hbm>>, %arg8: memref<128xi32, #tpu.memory_space<vmem>>, %arg9: memref<128xi32, #tpu.memory_space<vmem>>, %arg10: memref<128x128xf32, #tpu.memory_space<vmem>>, %arg11: memref<128x128xf32, #tpu.memory_space<vmem>>, %arg12: memref<!tpu.dma_semaphore, #tpu.memory_space<semaphore_mem>>, %arg13: memref<!tpu.dma_semaphore, #tpu.memory_space<semaphore_mem>>, %arg14: memref<!tpu.dma_semaphore, #tpu.memory_space<semaphore_mem>>) attributes {dimension_semantics = [#tpu.dimension_semantics<core_parallel>, #tpu.dimension_semantics<subcore_parallel>], iteration_bounds = array<i64: 2, 16>, scalar_prefetch = 0 : i64, scratch_operands = 7 : i64, tpu.core_type = #tpu.core_type<sc_vector_subcore>, window_params = [{transform_indices = #map}, {transform_indices = #map}, {transform_indices = #map1}, {transform_indices = #map1}, {transform_indices = #map1}, {transform_indices = #map1}]} {
    %mul3A = arith.constant 2 : i32
    %mul3A_0 = arith.muli %arg1, %mul3A : i32
    %add3A = arith.addi %mul3A_0, %arg0 : i32
    %mul3A_1 = arith.constant 128 : i32
    %mul3A_2 = arith.muli %add3A, %mul3A_1 : i32
    %dma_start3A = tpu.memref_slice %arg2[%mul3A_2] : memref<4096xi32, #tpu.memory_space<hbm>> -> memref<128xi32, #tpu.memory_space<hbm>>
    %dma_start3A_3 = tpu.memref_slice %arg2[%mul3A_2] : memref<4096xi32, #tpu.memory_space<hbm>> -> memref<128xi32, #tpu.memory_space<hbm>>
    tpu.enqueue_dma source(%dma_start3A_3 : memref<128xi32, #tpu.memory_space<hbm>>) target(%arg8 : memref<128xi32, #tpu.memory_space<vmem>>) target_semaphore(%arg12 : memref<!tpu.dma_semaphore, #tpu.memory_space<semaphore_mem>>)
    %dma_start3A_4 = tpu.memref_slice %arg3[%mul3A_2] : memref<4096xi32, #tpu.memory_space<hbm>> -> memref<128xi32, #tpu.memory_space<hbm>>
    %dma_start3A_5 = tpu.memref_slice %arg3[%mul3A_2] : memref<4096xi32, #tpu.memory_space<hbm>> -> memref<128xi32, #tpu.memory_space<hbm>>
    tpu.enqueue_dma source(%dma_start3A_5 : memref<128xi32, #tpu.memory_space<hbm>>) target(%arg9 : memref<128xi32, #tpu.memory_space<vmem>>) target_semaphore(%arg13 : memref<!tpu.dma_semaphore, #tpu.memory_space<semaphore_mem>>)
    %dma_wait3A = tpu.memref_slice %arg2[%mul3A_2] : memref<4096xi32, #tpu.memory_space<hbm>> -> memref<128xi32, #tpu.memory_space<hbm>>
    %dma_wait3A_6 = tpu.memref_slice %arg2[%mul3A_2] : memref<4096xi32, #tpu.memory_space<hbm>> -> memref<128xi32, #tpu.memory_space<hbm>>
    tpu.wait_dma2 semaphore(%arg12 : memref<!tpu.dma_semaphore, #tpu.memory_space<semaphore_mem>>) src(%dma_wait3A_6 : memref<128xi32, #tpu.memory_space<hbm>>) dst(%arg8 : memref<128xi32, #tpu.memory_space<vmem>>)
    %dma_start3A_7 = arith.constant 0 : i32
    %dma_start3A_8 = arith.constant 0 : i32
    %dma_start3A_9 = tpu.memref_slice %arg4[%dma_start3A_7, %dma_start3A_8] : memref<1000000x128xf32, #tpu.memory_space<hbm>> -> memref<1000000x128xf32, #tpu.memory_space<hbm>>
    tpu.enqueue_indirect_dma source(%dma_start3A_9 : memref<1000000x128xf32, #tpu.memory_space<hbm>>) target(%arg10 : memref<128x128xf32, #tpu.memory_space<vmem>>) offsets(%arg8 : memref<128xi32, #tpu.memory_space<vmem>>) semaphore(%arg12 : memref<!tpu.dma_semaphore, #tpu.memory_space<semaphore_mem>>)
    %dma_wait3A_10 = tpu.memref_slice %arg3[%mul3A_2] : memref<4096xi32, #tpu.memory_space<hbm>> -> memref<128xi32, #tpu.memory_space<hbm>>
    %dma_wait3A_11 = tpu.memref_slice %arg3[%mul3A_2] : memref<4096xi32, #tpu.memory_space<hbm>> -> memref<128xi32, #tpu.memory_space<hbm>>
    tpu.wait_dma2 semaphore(%arg13 : memref<!tpu.dma_semaphore, #tpu.memory_space<semaphore_mem>>) src(%dma_wait3A_11 : memref<128xi32, #tpu.memory_space<hbm>>) dst(%arg9 : memref<128xi32, #tpu.memory_space<vmem>>)
    %dma_start3A_12 = arith.constant 0 : i32
    %dma_start3A_13 = arith.constant 0 : i32
    %dma_start3A_14 = tpu.memref_slice %arg5[%dma_start3A_12, %dma_start3A_13] : memref<100000x128xf32, #tpu.memory_space<hbm>> -> memref<100000x128xf32, #tpu.memory_space<hbm>>
    tpu.enqueue_indirect_dma source(%dma_start3A_14 : memref<100000x128xf32, #tpu.memory_space<hbm>>) target(%arg11 : memref<128x128xf32, #tpu.memory_space<vmem>>) offsets(%arg9 : memref<128xi32, #tpu.memory_space<vmem>>) semaphore(%arg13 : memref<!tpu.dma_semaphore, #tpu.memory_space<semaphore_mem>>)
    %dma_wait3A_15 = arith.constant 0 : i32
    %dma_wait3A_16 = arith.constant 0 : i32
    %dma_wait3A_17 = tpu.memref_slice %arg4[%dma_wait3A_15, %dma_wait3A_16] : memref<1000000x128xf32, #tpu.memory_space<hbm>> -> memref<1000000x128xf32, #tpu.memory_space<hbm>>
    tpu.wait_indirect_dma semaphore(%arg12 : memref<!tpu.dma_semaphore, #tpu.memory_space<semaphore_mem>>) src(%dma_wait3A_17 : memref<1000000x128xf32, #tpu.memory_space<hbm>>) dst(%arg10 : memref<128x128xf32, #tpu.memory_space<vmem>>)
    %dma_start3A_18 = arith.constant 0 : i32
    %dma_start3A_19 = tpu.memref_slice %arg6[%mul3A_2, %dma_start3A_18] : memref<4096x128xf32, #tpu.memory_space<hbm>> -> memref<128x128xf32, #tpu.memory_space<hbm>>
    %dma_start3A_20 = arith.constant 0 : i32
    %dma_start3A_21 = tpu.memref_slice %arg6[%mul3A_2, %dma_start3A_20] : memref<4096x128xf32, #tpu.memory_space<hbm>> -> memref<128x128xf32, #tpu.memory_space<hbm>>
    tpu.enqueue_dma source(%arg10 : memref<128x128xf32, #tpu.memory_space<vmem>>) target(%dma_start3A_21 : memref<128x128xf32, #tpu.memory_space<hbm>>) target_semaphore(%arg14 : memref<!tpu.dma_semaphore, #tpu.memory_space<semaphore_mem>>)
    %dma_wait3A_22 = arith.constant 0 : i32
    %dma_wait3A_23 = arith.constant 0 : i32
    %dma_wait3A_24 = tpu.memref_slice %arg5[%dma_wait3A_22, %dma_wait3A_23] : memref<100000x128xf32, #tpu.memory_space<hbm>> -> memref<100000x128xf32, #tpu.memory_space<hbm>>
    tpu.wait_indirect_dma semaphore(%arg13 : memref<!tpu.dma_semaphore, #tpu.memory_space<semaphore_mem>>) src(%dma_wait3A_24 : memref<100000x128xf32, #tpu.memory_space<hbm>>) dst(%arg11 : memref<128x128xf32, #tpu.memory_space<vmem>>)
    %dma_start3A_25 = arith.constant 0 : i32
    %dma_start3A_26 = tpu.memref_slice %arg7[%mul3A_2, %dma_start3A_25] : memref<4096x128xf32, #tpu.memory_space<hbm>> -> memref<128x128xf32, #tpu.memory_space<hbm>>
    %dma_start3A_27 = arith.constant 0 : i32
    %dma_start3A_28 = tpu.memref_slice %arg7[%mul3A_2, %dma_start3A_27] : memref<4096x128xf32, #tpu.memory_space<hbm>> -> memref<128x128xf32, #tpu.memory_space<hbm>>
    tpu.enqueue_dma source(%arg11 : memref<128x128xf32, #tpu.memory_space<vmem>>) target(%dma_start3A_28 : memref<128x128xf32, #tpu.memory_space<hbm>>) target_semaphore(%arg14 : memref<!tpu.dma_semaphore, #tpu.memory_space<semaphore_mem>>)
    %dma_wait3A_29 = arith.constant 0 : i32
    %dma_wait3A_30 = tpu.memref_slice %arg6[%mul3A_2, %dma_wait3A_29] : memref<4096x128xf32, #tpu.memory_space<hbm>> -> memref<128x128xf32, #tpu.memory_space<hbm>>
    %dma_wait3A_31 = arith.constant 0 : i32
    %dma_wait3A_32 = tpu.memref_slice %arg6[%mul3A_2, %dma_wait3A_31] : memref<4096x128xf32, #tpu.memory_space<hbm>> -> memref<128x128xf32, #tpu.memory_space<hbm>>
    tpu.wait_dma2 semaphore(%arg14 : memref<!tpu.dma_semaphore, #tpu.memory_space<semaphore_mem>>) src(%arg10 : memref<128x128xf32, #tpu.memory_space<vmem>>) dst(%dma_wait3A_32 : memref<128x128xf32, #tpu.memory_space<hbm>>)
    %dma_wait3A_33 = arith.constant 0 : i32
    %dma_wait3A_34 = tpu.memref_slice %arg7[%mul3A_2, %dma_wait3A_33] : memref<4096x128xf32, #tpu.memory_space<hbm>> -> memref<128x128xf32, #tpu.memory_space<hbm>>
    %dma_wait3A_35 = arith.constant 0 : i32
    %dma_wait3A_36 = tpu.memref_slice %arg7[%mul3A_2, %dma_wait3A_35] : memref<4096x128xf32, #tpu.memory_space<hbm>> -> memref<128x128xf32, #tpu.memory_space<hbm>>
    tpu.wait_dma2 semaphore(%arg14 : memref<!tpu.dma_semaphore, #tpu.memory_space<semaphore_mem>>) src(%arg11 : memref<128x128xf32, #tpu.memory_space<vmem>>) dst(%dma_wait3A_36 : memref<128x128xf32, #tpu.memory_space<hbm>>)
    return
  }
}

module attributes {stable_mosaic.version = 14 : i64} {
  func.func @_tc_body(%arg0: i32, %arg1: memref<1x1x4096xi32, #tpu.memory_space<vmem>>, %arg2: memref<1x1x4096xi32, #tpu.memory_space<vmem>>, %arg3: memref<4096x128xf32, #tpu.memory_space<vmem>>, %arg4: memref<4096x128xf32, #tpu.memory_space<vmem>>, %arg5: memref<4096x128xf32, #tpu.memory_space<vmem>>, %arg6: memref<4096x128xf32, #tpu.memory_space<vmem>>, %arg7: memref<32x128xbf16, #tpu.memory_space<vmem>>, %arg8: memref<32x128xbf16, #tpu.memory_space<vmem>>, %arg9: memref<512x256xf32, #tpu.memory_space<vmem>>, %arg10: memref<256xf32, #tpu.memory_space<vmem>>, %arg11: memref<256xf32, #tpu.memory_space<vmem>>, %arg12: memref<256xf32, #tpu.memory_space<vmem>>, %arg13: memref<256x128xf32, #tpu.memory_space<vmem>>, %arg14: memref<128xf32, #tpu.memory_space<vmem>>, %arg15: memref<128xf32, #tpu.memory_space<vmem>>, %arg16: memref<128xf32, #tpu.memory_space<vmem>>, %arg17: memref<128x128xf32, #tpu.memory_space<vmem>>, %arg18: memref<128xf32, #tpu.memory_space<vmem>>, %arg19: memref<256x256xf32, #tpu.memory_space<vmem>>, %arg20: memref<256xf32, #tpu.memory_space<vmem>>, %arg21: memref<256xf32, #tpu.memory_space<vmem>>, %arg22: memref<256xf32, #tpu.memory_space<vmem>>, %arg23: memref<256x128xf32, #tpu.memory_space<vmem>>, %arg24: memref<128xf32, #tpu.memory_space<vmem>>, %arg25: memref<128xf32, #tpu.memory_space<vmem>>, %arg26: memref<128xf32, #tpu.memory_space<vmem>>, %arg27: memref<128x128xf32, #tpu.memory_space<vmem>>, %arg28: memref<128xf32, #tpu.memory_space<vmem>>, %arg29: memref<1x1x4096xf32, #tpu.memory_space<vmem>>) attributes {dimension_semantics = [#tpu.dimension_semantics<arbitrary>], iteration_bounds = array<i64: 1>, scalar_prefetch = 0 : i64, scratch_operands = 0 : i64, tpu.core_type = #tpu.core_type<tc>, window_params = [{transform_indices = @transform_0, window_bounds = array<i64: 1, 1, 4096>}, {transform_indices = @transform_1, window_bounds = array<i64: 1, 1, 4096>}, {transform_indices = @transform_2, window_bounds = array<i64: 4096, 128>}, {transform_indices = @transform_3, window_bounds = array<i64: 4096, 128>}, {transform_indices = @transform_4, window_bounds = array<i64: 4096, 128>}, {transform_indices = @transform_5, window_bounds = array<i64: 4096, 128>}, {pipeline_mode = #tpu.pipeline_mode<synchronous>, transform_indices = @transform_6, window_bounds = array<i64: 32, 128>}, {pipeline_mode = #tpu.pipeline_mode<synchronous>, transform_indices = @transform_7, window_bounds = array<i64: 32, 128>}, {pipeline_mode = #tpu.pipeline_mode<synchronous>, transform_indices = @transform_8, window_bounds = array<i64: 512, 256>}, {pipeline_mode = #tpu.pipeline_mode<synchronous>, transform_indices = @transform_9, window_bounds = array<i64: 256>}, {pipeline_mode = #tpu.pipeline_mode<synchronous>, transform_indices = @transform_10, window_bounds = array<i64: 256>}, {pipeline_mode = #tpu.pipeline_mode<synchronous>, transform_indices = @transform_11, window_bounds = array<i64: 256>}, {pipeline_mode = #tpu.pipeline_mode<synchronous>, transform_indices = @transform_12, window_bounds = array<i64: 256, 128>}, {pipeline_mode = #tpu.pipeline_mode<synchronous>, transform_indices = @transform_13, window_bounds = array<i64: 128>}, {pipeline_mode = #tpu.pipeline_mode<synchronous>, transform_indices = @transform_14, window_bounds = array<i64: 128>}, {pipeline_mode = #tpu.pipeline_mode<synchronous>, transform_indices = @transform_15, window_bounds = array<i64: 128>}, {pipeline_mode = #tpu.pipeline_mode<synchronous>, transform_indices = @transform_16, window_bounds = array<i64: 128, 128>}, {pipeline_mode = #tpu.pipeline_mode<synchronous>, transform_indices = @transform_17, window_bounds = array<i64: 128>}, {pipeline_mode = #tpu.pipeline_mode<synchronous>, transform_indices = @transform_18, window_bounds = array<i64: 256, 256>}, {pipeline_mode = #tpu.pipeline_mode<synchronous>, transform_indices = @transform_19, window_bounds = array<i64: 256>}, {pipeline_mode = #tpu.pipeline_mode<synchronous>, transform_indices = @transform_20, window_bounds = array<i64: 256>}, {pipeline_mode = #tpu.pipeline_mode<synchronous>, transform_indices = @transform_21, window_bounds = array<i64: 256>}, {pipeline_mode = #tpu.pipeline_mode<synchronous>, transform_indices = @transform_22, window_bounds = array<i64: 256, 128>}, {pipeline_mode = #tpu.pipeline_mode<synchronous>, transform_indices = @transform_23, window_bounds = array<i64: 128>}, {pipeline_mode = #tpu.pipeline_mode<synchronous>, transform_indices = @transform_24, window_bounds = array<i64: 128>}, {pipeline_mode = #tpu.pipeline_mode<synchronous>, transform_indices = @transform_25, window_bounds = array<i64: 128>}, {pipeline_mode = #tpu.pipeline_mode<synchronous>, transform_indices = @transform_26, window_bounds = array<i64: 128, 128>}, {pipeline_mode = #tpu.pipeline_mode<synchronous>, transform_indices = @transform_27, window_bounds = array<i64: 128>}, {transform_indices = @transform_28, window_bounds = array<i64: 1, 1, 4096>}]} {
    %get3A = arith.constant 0 : index
    %get3A_0 = arith.constant 0 : index
    %get3A_1 = arith.constant 0 : index
    %get3A_2 = vector.load %arg1[%get3A, %get3A_0, %get3A_1] : memref<1x1x4096xi32, #tpu.memory_space<vmem>>, vector<1x1x4096xi32>
    %get3A_3 = vector.shape_cast %get3A_2 : vector<1x1x4096xi32> to vector<1x4096xi32>
    %iota3A = tpu.iota {dimensions = array<i32: 0>} : vector<32x4096xi32>
    %broadcast_in_dim3A = vector.shape_cast %get3A_3 : vector<1x4096xi32> to vector<1x4096xi32>
    %broadcast_in_dim3A_4 = vector.broadcast %broadcast_in_dim3A : vector<1x4096xi32> to vector<32x4096xi32>
    %eq3A = arith.cmpi eq, %iota3A, %broadcast_in_dim3A_4 : vector<32x4096xi32>
    %jit3A = arith.constant 1.000000e+00 : f32
    %jit3A_5 = arith.constant 0.000000e+00 : f32
    %broadcast_in_dim3A_6 = vector.broadcast %jit3A : f32 to vector<32x4096xf32>
    %broadcast_in_dim3A_7 = vector.broadcast %jit3A_5 : f32 to vector<32x4096xf32>
    %select_n3A = arith.select %eq3A, %broadcast_in_dim3A_6, %broadcast_in_dim3A_7 : vector<32x4096xi1>, vector<32x4096xf32>
    %convert_element_type3A = arith.truncf %select_n3A : vector<32x4096xf32> to vector<32x4096xbf16>
    %get3A_8 = arith.constant 0 : index
    %get3A_9 = arith.constant 0 : index
    %get3A_10 = vector.load %arg7[%get3A_8, %get3A_9] : memref<32x128xbf16, #tpu.memory_space<vmem>>, vector<32x128xbf16>
    %dot_general3A = arith.constant dense<0.000000e+00> : vector<4096x128xf32>
    %dot_general3A_11 = tpu.matmul %convert_element_type3A, %get3A_10, %dot_general3A {dimension_numbers = #tpu.dot_dimension_numbers<[0], [0], [1], [1], [0, 1, 1, 1], [], []>, transpose_lhs_hint = false} : vector<32x4096xbf16>, vector<32x128xbf16>, vector<4096x128xf32> -> vector<4096x128xf32>
    %convert_element_type3A_12 = arith.truncf %dot_general3A_11 : vector<4096x128xf32> to vector<4096x128xbf16>
    %get3A_13 = arith.constant 0 : index
    %get3A_14 = arith.constant 0 : index
    %get3A_15 = arith.constant 0 : index
    %get3A_16 = vector.load %arg2[%get3A_13, %get3A_14, %get3A_15] : memref<1x1x4096xi32, #tpu.memory_space<vmem>>, vector<1x1x4096xi32>
    %get3A_17 = vector.shape_cast %get3A_16 : vector<1x1x4096xi32> to vector<1x4096xi32>
    %iota3A_18 = tpu.iota {dimensions = array<i32: 0>} : vector<32x4096xi32>
    %broadcast_in_dim3A_19 = vector.shape_cast %get3A_17 : vector<1x4096xi32> to vector<1x4096xi32>
    %broadcast_in_dim3A_20 = vector.broadcast %broadcast_in_dim3A_19 : vector<1x4096xi32> to vector<32x4096xi32>
    %eq3A_21 = arith.cmpi eq, %iota3A_18, %broadcast_in_dim3A_20 : vector<32x4096xi32>
    %jit3A_22 = arith.constant 1.000000e+00 : f32
    %jit3A_23 = arith.constant 0.000000e+00 : f32
    %broadcast_in_dim3A_24 = vector.broadcast %jit3A_22 : f32 to vector<32x4096xf32>
    %broadcast_in_dim3A_25 = vector.broadcast %jit3A_23 : f32 to vector<32x4096xf32>
    %select_n3A_26 = arith.select %eq3A_21, %broadcast_in_dim3A_24, %broadcast_in_dim3A_25 : vector<32x4096xi1>, vector<32x4096xf32>
    %convert_element_type3A_27 = arith.truncf %select_n3A_26 : vector<32x4096xf32> to vector<32x4096xbf16>
    %get3A_28 = arith.constant 0 : index
    %get3A_29 = arith.constant 0 : index
    %get3A_30 = vector.load %arg8[%get3A_28, %get3A_29] : memref<32x128xbf16, #tpu.memory_space<vmem>>, vector<32x128xbf16>
    %dot_general3A_31 = arith.constant dense<0.000000e+00> : vector<4096x128xf32>
    %dot_general3A_32 = tpu.matmul %convert_element_type3A_27, %get3A_30, %dot_general3A_31 {dimension_numbers = #tpu.dot_dimension_numbers<[0], [0], [1], [1], [0, 1, 1, 1], [], []>, transpose_lhs_hint = false} : vector<32x4096xbf16>, vector<32x128xbf16>, vector<4096x128xf32> -> vector<4096x128xf32>
    %convert_element_type3A_33 = arith.truncf %dot_general3A_32 : vector<4096x128xf32> to vector<4096x128xbf16>
    %get3A_34 = arith.constant 0 : index
    %get3A_35 = arith.constant 0 : index
    %get3A_36 = vector.load %arg3[%get3A_34, %get3A_35] : memref<4096x128xf32, #tpu.memory_space<vmem>>, vector<4096x128xf32>
    %convert_element_type3A_37 = arith.truncf %get3A_36 : vector<4096x128xf32> to vector<4096x128xbf16>
    %get3A_38 = arith.constant 0 : index
    %get3A_39 = arith.constant 0 : index
    %get3A_40 = vector.load %arg4[%get3A_38, %get3A_39] : memref<4096x128xf32, #tpu.memory_space<vmem>>, vector<4096x128xf32>
    %convert_element_type3A_41 = arith.truncf %get3A_40 : vector<4096x128xf32> to vector<4096x128xbf16>
    %concatenate3A = tpu.concatenate %convert_element_type3A_37, %convert_element_type3A_41, %convert_element_type3A_12, %convert_element_type3A_33 in 1 : vector<4096x128xbf16>, vector<4096x128xbf16>, vector<4096x128xbf16>, vector<4096x128xbf16> -> vector<4096x512xbf16>
    %get3A_42 = arith.constant 0 : index
    %get3A_43 = arith.constant 0 : index
    %get3A_44 = vector.load %arg9[%get3A_42, %get3A_43] : memref<512x256xf32, #tpu.memory_space<vmem>>, vector<512x256xf32>
    %get3A_45 = arith.constant 0 : index
    %get3A_46 = vector.load %arg10[%get3A_45] : memref<256xf32, #tpu.memory_space<vmem>>, vector<256xf32>
    %get3A_47 = arith.constant 0 : index
    %get3A_48 = vector.load %arg11[%get3A_47] : memref<256xf32, #tpu.memory_space<vmem>>, vector<256xf32>
    %get3A_49 = arith.constant 0 : index
    %get3A_50 = vector.load %arg12[%get3A_49] : memref<256xf32, #tpu.memory_space<vmem>>, vector<256xf32>
    %get3A_51 = arith.constant 0 : index
    %get3A_52 = arith.constant 0 : index
    %get3A_53 = vector.load %arg13[%get3A_51, %get3A_52] : memref<256x128xf32, #tpu.memory_space<vmem>>, vector<256x128xf32>
    %get3A_54 = arith.constant 0 : index
    %get3A_55 = vector.load %arg14[%get3A_54] : memref<128xf32, #tpu.memory_space<vmem>>, vector<128xf32>
    %get3A_56 = arith.constant 0 : index
    %get3A_57 = vector.load %arg15[%get3A_56] : memref<128xf32, #tpu.memory_space<vmem>>, vector<128xf32>
    %get3A_58 = arith.constant 0 : index
    %get3A_59 = vector.load %arg16[%get3A_58] : memref<128xf32, #tpu.memory_space<vmem>>, vector<128xf32>
    %get3A_60 = arith.constant 0 : index
    %get3A_61 = arith.constant 0 : index
    %get3A_62 = vector.load %arg17[%get3A_60, %get3A_61] : memref<128x128xf32, #tpu.memory_space<vmem>>, vector<128x128xf32>
    %get3A_63 = arith.constant 0 : index
    %get3A_64 = vector.load %arg18[%get3A_63] : memref<128xf32, #tpu.memory_space<vmem>>, vector<128xf32>
    %convert_element_type3A_65 = arith.truncf %get3A_44 : vector<512x256xf32> to vector<512x256xbf16>
    %dot_general3A_66 = arith.constant dense<0.000000e+00> : vector<4096x256xf32>
    %dot_general3A_67 = tpu.matmul %concatenate3A, %convert_element_type3A_65, %dot_general3A_66 {dimension_numbers = #tpu.dot_dimension_numbers<[1], [0], [0], [1], [0, 0, 1, 1], [], []>, transpose_lhs_hint = false} : vector<4096x512xbf16>, vector<512x256xbf16>, vector<4096x256xf32> -> vector<4096x256xf32>
    %broadcast_in_dim3A_68 = vector.shape_cast %get3A_46 : vector<256xf32> to vector<1x256xf32>
    %add3A = vector.broadcast %broadcast_in_dim3A_68 : vector<1x256xf32> to vector<4096x256xf32>
    %add3A_69 = arith.addf %dot_general3A_67, %add3A : vector<4096x256xf32>
    %max3A = arith.constant 0.000000e+00 : f32
    %max3A_70 = vector.broadcast %max3A : f32 to vector<4096x256xf32>
    %max3A_71 = arith.maximumf %add3A_69, %max3A_70 : vector<4096x256xf32>
    %mul3A = arith.constant 0.999994993 : f32
    %mul3A_72 = vector.broadcast %mul3A : f32 to vector<256xf32>
    %mul3A_73 = arith.mulf %get3A_48, %mul3A_72 : vector<256xf32>
    %broadcast_in_dim3A_74 = vector.shape_cast %mul3A_73 : vector<256xf32> to vector<1x256xf32>
    %mul3A_75 = vector.broadcast %broadcast_in_dim3A_74 : vector<1x256xf32> to vector<4096x256xf32>
    %mul3A_76 = arith.mulf %max3A_71, %mul3A_75 : vector<4096x256xf32>
    %broadcast_in_dim3A_77 = vector.shape_cast %get3A_50 : vector<256xf32> to vector<1x256xf32>
    %add3A_78 = vector.broadcast %broadcast_in_dim3A_77 : vector<1x256xf32> to vector<4096x256xf32>
    %add3A_79 = arith.addf %mul3A_76, %add3A_78 : vector<4096x256xf32>
    %convert_element_type3A_80 = arith.truncf %add3A_79 : vector<4096x256xf32> to vector<4096x256xbf16>
    %convert_element_type3A_81 = arith.truncf %get3A_53 : vector<256x128xf32> to vector<256x128xbf16>
    %dot_general3A_82 = arith.constant dense<0.000000e+00> : vector<4096x128xf32>
    %dot_general3A_83 = tpu.matmul %convert_element_type3A_80, %convert_element_type3A_81, %dot_general3A_82 {dimension_numbers = #tpu.dot_dimension_numbers<[1], [0], [0], [1], [0, 0, 1, 1], [], []>, transpose_lhs_hint = false} : vector<4096x256xbf16>, vector<256x128xbf16>, vector<4096x128xf32> -> vector<4096x128xf32>
    %broadcast_in_dim3A_84 = vector.shape_cast %get3A_55 : vector<128xf32> to vector<1x128xf32>
    %add3A_85 = vector.broadcast %broadcast_in_dim3A_84 : vector<1x128xf32> to vector<4096x128xf32>
    %add3A_86 = arith.addf %dot_general3A_83, %add3A_85 : vector<4096x128xf32>
    %max3A_87 = arith.constant 0.000000e+00 : f32
    %max3A_88 = vector.broadcast %max3A_87 : f32 to vector<4096x128xf32>
    %max3A_89 = arith.maximumf %add3A_86, %max3A_88 : vector<4096x128xf32>
    %mul3A_90 = arith.constant 0.999994993 : f32
    %mul3A_91 = vector.broadcast %mul3A_90 : f32 to vector<128xf32>
    %mul3A_92 = arith.mulf %get3A_57, %mul3A_91 : vector<128xf32>
    %broadcast_in_dim3A_93 = vector.shape_cast %mul3A_92 : vector<128xf32> to vector<1x128xf32>
    %mul3A_94 = vector.broadcast %broadcast_in_dim3A_93 : vector<1x128xf32> to vector<4096x128xf32>
    %mul3A_95 = arith.mulf %max3A_89, %mul3A_94 : vector<4096x128xf32>
    %broadcast_in_dim3A_96 = vector.shape_cast %get3A_59 : vector<128xf32> to vector<1x128xf32>
    %add3A_97 = vector.broadcast %broadcast_in_dim3A_96 : vector<1x128xf32> to vector<4096x128xf32>
    %add3A_98 = arith.addf %mul3A_95, %add3A_97 : vector<4096x128xf32>
    %convert_element_type3A_99 = arith.truncf %add3A_98 : vector<4096x128xf32> to vector<4096x128xbf16>
    %convert_element_type3A_100 = arith.truncf %get3A_62 : vector<128x128xf32> to vector<128x128xbf16>
    %dot_general3A_101 = arith.constant dense<0.000000e+00> : vector<4096x128xf32>
    %dot_general3A_102 = tpu.matmul %convert_element_type3A_99, %convert_element_type3A_100, %dot_general3A_101 {dimension_numbers = #tpu.dot_dimension_numbers<[1], [0], [0], [1], [0, 0, 1, 1], [], []>, transpose_lhs_hint = false} : vector<4096x128xbf16>, vector<128x128xbf16>, vector<4096x128xf32> -> vector<4096x128xf32>
    %broadcast_in_dim3A_103 = vector.shape_cast %get3A_64 : vector<128xf32> to vector<1x128xf32>
    %add3A_104 = vector.broadcast %broadcast_in_dim3A_103 : vector<1x128xf32> to vector<4096x128xf32>
    %add3A_105 = arith.addf %dot_general3A_102, %add3A_104 : vector<4096x128xf32>
    %get3A_106 = arith.constant 0 : index
    %get3A_107 = arith.constant 0 : index
    %get3A_108 = vector.load %arg5[%get3A_106, %get3A_107] : memref<4096x128xf32, #tpu.memory_space<vmem>>, vector<4096x128xf32>
    %convert_element_type3A_109 = arith.truncf %get3A_108 : vector<4096x128xf32> to vector<4096x128xbf16>
    %get3A_110 = arith.constant 0 : index
    %get3A_111 = arith.constant 0 : index
    %get3A_112 = vector.load %arg6[%get3A_110, %get3A_111] : memref<4096x128xf32, #tpu.memory_space<vmem>>, vector<4096x128xf32>
    %convert_element_type3A_113 = arith.truncf %get3A_112 : vector<4096x128xf32> to vector<4096x128xbf16>
    %concatenate3A_114 = tpu.concatenate %convert_element_type3A_109, %convert_element_type3A_113 in 1 : vector<4096x128xbf16>, vector<4096x128xbf16> -> vector<4096x256xbf16>
    %get3A_115 = arith.constant 0 : index
    %get3A_116 = arith.constant 0 : index
    %get3A_117 = vector.load %arg19[%get3A_115, %get3A_116] : memref<256x256xf32, #tpu.memory_space<vmem>>, vector<256x256xf32>
    %get3A_118 = arith.constant 0 : index
    %get3A_119 = vector.load %arg20[%get3A_118] : memref<256xf32, #tpu.memory_space<vmem>>, vector<256xf32>
    %get3A_120 = arith.constant 0 : index
    %get3A_121 = vector.load %arg21[%get3A_120] : memref<256xf32, #tpu.memory_space<vmem>>, vector<256xf32>
    %get3A_122 = arith.constant 0 : index
    %get3A_123 = vector.load %arg22[%get3A_122] : memref<256xf32, #tpu.memory_space<vmem>>, vector<256xf32>
    %get3A_124 = arith.constant 0 : index
    %get3A_125 = arith.constant 0 : index
    %get3A_126 = vector.load %arg23[%get3A_124, %get3A_125] : memref<256x128xf32, #tpu.memory_space<vmem>>, vector<256x128xf32>
    %get3A_127 = arith.constant 0 : index
    %get3A_128 = vector.load %arg24[%get3A_127] : memref<128xf32, #tpu.memory_space<vmem>>, vector<128xf32>
    %get3A_129 = arith.constant 0 : index
    %get3A_130 = vector.load %arg25[%get3A_129] : memref<128xf32, #tpu.memory_space<vmem>>, vector<128xf32>
    %get3A_131 = arith.constant 0 : index
    %get3A_132 = vector.load %arg26[%get3A_131] : memref<128xf32, #tpu.memory_space<vmem>>, vector<128xf32>
    %get3A_133 = arith.constant 0 : index
    %get3A_134 = arith.constant 0 : index
    %get3A_135 = vector.load %arg27[%get3A_133, %get3A_134] : memref<128x128xf32, #tpu.memory_space<vmem>>, vector<128x128xf32>
    %get3A_136 = arith.constant 0 : index
    %get3A_137 = vector.load %arg28[%get3A_136] : memref<128xf32, #tpu.memory_space<vmem>>, vector<128xf32>
    %convert_element_type3A_138 = arith.truncf %get3A_117 : vector<256x256xf32> to vector<256x256xbf16>
    %dot_general3A_139 = arith.constant dense<0.000000e+00> : vector<4096x256xf32>
    %dot_general3A_140 = tpu.matmul %concatenate3A_114, %convert_element_type3A_138, %dot_general3A_139 {dimension_numbers = #tpu.dot_dimension_numbers<[1], [0], [0], [1], [0, 0, 1, 1], [], []>, transpose_lhs_hint = false} : vector<4096x256xbf16>, vector<256x256xbf16>, vector<4096x256xf32> -> vector<4096x256xf32>
    %broadcast_in_dim3A_141 = vector.shape_cast %get3A_119 : vector<256xf32> to vector<1x256xf32>
    %add3A_142 = vector.broadcast %broadcast_in_dim3A_141 : vector<1x256xf32> to vector<4096x256xf32>
    %add3A_143 = arith.addf %dot_general3A_140, %add3A_142 : vector<4096x256xf32>
    %max3A_144 = arith.constant 0.000000e+00 : f32
    %max3A_145 = vector.broadcast %max3A_144 : f32 to vector<4096x256xf32>
    %max3A_146 = arith.maximumf %add3A_143, %max3A_145 : vector<4096x256xf32>
    %mul3A_147 = arith.constant 0.999994993 : f32
    %mul3A_148 = vector.broadcast %mul3A_147 : f32 to vector<256xf32>
    %mul3A_149 = arith.mulf %get3A_121, %mul3A_148 : vector<256xf32>
    %broadcast_in_dim3A_150 = vector.shape_cast %mul3A_149 : vector<256xf32> to vector<1x256xf32>
    %mul3A_151 = vector.broadcast %broadcast_in_dim3A_150 : vector<1x256xf32> to vector<4096x256xf32>
    %mul3A_152 = arith.mulf %max3A_146, %mul3A_151 : vector<4096x256xf32>
    %broadcast_in_dim3A_153 = vector.shape_cast %get3A_123 : vector<256xf32> to vector<1x256xf32>
    %add3A_154 = vector.broadcast %broadcast_in_dim3A_153 : vector<1x256xf32> to vector<4096x256xf32>
    %add3A_155 = arith.addf %mul3A_152, %add3A_154 : vector<4096x256xf32>
    %convert_element_type3A_156 = arith.truncf %add3A_155 : vector<4096x256xf32> to vector<4096x256xbf16>
    %convert_element_type3A_157 = arith.truncf %get3A_126 : vector<256x128xf32> to vector<256x128xbf16>
    %dot_general3A_158 = arith.constant dense<0.000000e+00> : vector<4096x128xf32>
    %dot_general3A_159 = tpu.matmul %convert_element_type3A_156, %convert_element_type3A_157, %dot_general3A_158 {dimension_numbers = #tpu.dot_dimension_numbers<[1], [0], [0], [1], [0, 0, 1, 1], [], []>, transpose_lhs_hint = false} : vector<4096x256xbf16>, vector<256x128xbf16>, vector<4096x128xf32> -> vector<4096x128xf32>
    %broadcast_in_dim3A_160 = vector.shape_cast %get3A_128 : vector<128xf32> to vector<1x128xf32>
    %add3A_161 = vector.broadcast %broadcast_in_dim3A_160 : vector<1x128xf32> to vector<4096x128xf32>
    %add3A_162 = arith.addf %dot_general3A_159, %add3A_161 : vector<4096x128xf32>
    %max3A_163 = arith.constant 0.000000e+00 : f32
    %max3A_164 = vector.broadcast %max3A_163 : f32 to vector<4096x128xf32>
    %max3A_165 = arith.maximumf %add3A_162, %max3A_164 : vector<4096x128xf32>
    %mul3A_166 = arith.constant 0.999994993 : f32
    %mul3A_167 = vector.broadcast %mul3A_166 : f32 to vector<128xf32>
    %mul3A_168 = arith.mulf %get3A_130, %mul3A_167 : vector<128xf32>
    %broadcast_in_dim3A_169 = vector.shape_cast %mul3A_168 : vector<128xf32> to vector<1x128xf32>
    %mul3A_170 = vector.broadcast %broadcast_in_dim3A_169 : vector<1x128xf32> to vector<4096x128xf32>
    %mul3A_171 = arith.mulf %max3A_165, %mul3A_170 : vector<4096x128xf32>
    %broadcast_in_dim3A_172 = vector.shape_cast %get3A_132 : vector<128xf32> to vector<1x128xf32>
    %add3A_173 = vector.broadcast %broadcast_in_dim3A_172 : vector<1x128xf32> to vector<4096x128xf32>
    %add3A_174 = arith.addf %mul3A_171, %add3A_173 : vector<4096x128xf32>
    %convert_element_type3A_175 = arith.truncf %add3A_174 : vector<4096x128xf32> to vector<4096x128xbf16>
    %convert_element_type3A_176 = arith.truncf %get3A_135 : vector<128x128xf32> to vector<128x128xbf16>
    %dot_general3A_177 = arith.constant dense<0.000000e+00> : vector<4096x128xf32>
    %dot_general3A_178 = tpu.matmul %convert_element_type3A_175, %convert_element_type3A_176, %dot_general3A_177 {dimension_numbers = #tpu.dot_dimension_numbers<[1], [0], [0], [1], [0, 0, 1, 1], [], []>, transpose_lhs_hint = false} : vector<4096x128xbf16>, vector<128x128xbf16>, vector<4096x128xf32> -> vector<4096x128xf32>
    %broadcast_in_dim3A_179 = vector.shape_cast %get3A_137 : vector<128xf32> to vector<1x128xf32>
    %add3A_180 = vector.broadcast %broadcast_in_dim3A_179 : vector<1x128xf32> to vector<4096x128xf32>
    %add3A_181 = arith.addf %dot_general3A_178, %add3A_180 : vector<4096x128xf32>
    %mul3A_182 = arith.mulf %add3A_105, %add3A_181 : vector<4096x128xf32>
    %transpose3A = tpu.transpose %mul3A_182, [1, 0] : vector<4096x128xf32> -> vector<128x4096xf32>
    %reduce_sum3A = arith.constant dense<0.000000e+00> : vector<4096xf32>
    %reduce_sum3A_183 = vector.multi_reduction <add>, %transpose3A, %reduce_sum3A [0] : vector<128x4096xf32> to vector<4096xf32>
    %broadcast_in_dim3A_184 = vector.shape_cast %reduce_sum3A_183 : vector<4096xf32> to vector<1x4096xf32>
    %broadcast_in_dim3A_185 = vector.shape_cast %broadcast_in_dim3A_184 : vector<1x4096xf32> to vector<1x1x4096xf32>
    %swap3A = arith.constant 0 : index
    %swap3A_186 = arith.constant 0 : index
    %swap3A_187 = arith.constant 0 : index
    %swap3A_188 = vector.load %arg29[%swap3A, %swap3A_186, %swap3A_187] : memref<1x1x4096xf32, #tpu.memory_space<vmem>>, vector<1x1x4096xf32>
    tpu.vector_store %arg29[%swap3A, %swap3A_186, %swap3A_187], %broadcast_in_dim3A_185 {strides = array<i32>} : memref<1x1x4096xf32, #tpu.memory_space<vmem>>, vector<1x1x4096xf32>,
    return
  }
  func.func @transform_0(%arg0: i32) -> (i32, i32, i32) {
    %c0_i32 = arith.constant 0 : i32
    %c0_i32_0 = arith.constant 0 : i32
    %c0_i32_1 = arith.constant 0 : i32
    return %arg0, %c0_i32, %c0_i32_0 : i32, i32, i32
  }
  func.func @transform_1(%arg0: i32) -> (i32, i32, i32) {
    %c0_i32 = arith.constant 0 : i32
    %c0_i32_0 = arith.constant 0 : i32
    %c0_i32_1 = arith.constant 0 : i32
    return %arg0, %c0_i32, %c0_i32_0 : i32, i32, i32
  }
  func.func @transform_2(%arg0: i32) -> (i32, i32) {
    %c0_i32 = arith.constant 0 : i32
    %c0_i32_0 = arith.constant 0 : i32
    return %arg0, %c0_i32 : i32, i32
  }
  func.func @transform_3(%arg0: i32) -> (i32, i32) {
    %c0_i32 = arith.constant 0 : i32
    %c0_i32_0 = arith.constant 0 : i32
    return %arg0, %c0_i32 : i32, i32
  }
  func.func @transform_4(%arg0: i32) -> (i32, i32) {
    %c0_i32 = arith.constant 0 : i32
    %c0_i32_0 = arith.constant 0 : i32
    return %arg0, %c0_i32 : i32, i32
  }
  func.func @transform_5(%arg0: i32) -> (i32, i32) {
    %c0_i32 = arith.constant 0 : i32
    %c0_i32_0 = arith.constant 0 : i32
    return %arg0, %c0_i32 : i32, i32
  }
  func.func @transform_6(%arg0: i32) -> (i32, i32) {
    %c0_i32 = arith.constant 0 : i32
    %c0_i32_0 = arith.constant 0 : i32
    %c0_i32_1 = arith.constant 0 : i32
    return %c0_i32, %c0_i32_0 : i32, i32
  }
  func.func @transform_7(%arg0: i32) -> (i32, i32) {
    %c0_i32 = arith.constant 0 : i32
    %c0_i32_0 = arith.constant 0 : i32
    %c0_i32_1 = arith.constant 0 : i32
    return %c0_i32, %c0_i32_0 : i32, i32
  }
  func.func @transform_8(%arg0: i32) -> (i32, i32) {
    %c0_i32 = arith.constant 0 : i32
    %c0_i32_0 = arith.constant 0 : i32
    %c0_i32_1 = arith.constant 0 : i32
    return %c0_i32, %c0_i32_0 : i32, i32
  }
  func.func @transform_9(%arg0: i32) -> i32 {
    %c0_i32 = arith.constant 0 : i32
    %c0_i32_0 = arith.constant 0 : i32
    return %c0_i32 : i32
  }
  func.func @transform_10(%arg0: i32) -> i32 {
    %c0_i32 = arith.constant 0 : i32
    %c0_i32_0 = arith.constant 0 : i32
    return %c0_i32 : i32
  }
  func.func @transform_11(%arg0: i32) -> i32 {
    %c0_i32 = arith.constant 0 : i32
    %c0_i32_0 = arith.constant 0 : i32
    return %c0_i32 : i32
  }
  func.func @transform_12(%arg0: i32) -> (i32, i32) {
    %c0_i32 = arith.constant 0 : i32
    %c0_i32_0 = arith.constant 0 : i32
    %c0_i32_1 = arith.constant 0 : i32
    return %c0_i32, %c0_i32_0 : i32, i32
  }
  func.func @transform_13(%arg0: i32) -> i32 {
    %c0_i32 = arith.constant 0 : i32
    %c0_i32_0 = arith.constant 0 : i32
    return %c0_i32 : i32
  }
  func.func @transform_14(%arg0: i32) -> i32 {
    %c0_i32 = arith.constant 0 : i32
    %c0_i32_0 = arith.constant 0 : i32
    return %c0_i32 : i32
  }
  func.func @transform_15(%arg0: i32) -> i32 {
    %c0_i32 = arith.constant 0 : i32
    %c0_i32_0 = arith.constant 0 : i32
    return %c0_i32 : i32
  }
  func.func @transform_16(%arg0: i32) -> (i32, i32) {
    %c0_i32 = arith.constant 0 : i32
    %c0_i32_0 = arith.constant 0 : i32
    %c0_i32_1 = arith.constant 0 : i32
    return %c0_i32, %c0_i32_0 : i32, i32
  }
  func.func @transform_17(%arg0: i32) -> i32 {
    %c0_i32 = arith.constant 0 : i32
    %c0_i32_0 = arith.constant 0 : i32
    return %c0_i32 : i32
  }
  func.func @transform_18(%arg0: i32) -> (i32, i32) {
    %c0_i32 = arith.constant 0 : i32
    %c0_i32_0 = arith.constant 0 : i32
    %c0_i32_1 = arith.constant 0 : i32
    return %c0_i32, %c0_i32_0 : i32, i32
  }
  func.func @transform_19(%arg0: i32) -> i32 {
    %c0_i32 = arith.constant 0 : i32
    %c0_i32_0 = arith.constant 0 : i32
    return %c0_i32 : i32
  }
  func.func @transform_20(%arg0: i32) -> i32 {
    %c0_i32 = arith.constant 0 : i32
    %c0_i32_0 = arith.constant 0 : i32
    return %c0_i32 : i32
  }
  func.func @transform_21(%arg0: i32) -> i32 {
    %c0_i32 = arith.constant 0 : i32
    %c0_i32_0 = arith.constant 0 : i32
    return %c0_i32 : i32
  }
  func.func @transform_22(%arg0: i32) -> (i32, i32) {
    %c0_i32 = arith.constant 0 : i32
    %c0_i32_0 = arith.constant 0 : i32
    %c0_i32_1 = arith.constant 0 : i32
    return %c0_i32, %c0_i32_0 : i32, i32
  }
  func.func @transform_23(%arg0: i32) -> i32 {
    %c0_i32 = arith.constant 0 : i32
    %c0_i32_0 = arith.constant 0 : i32
    return %c0_i32 : i32
  }
  func.func @transform_24(%arg0: i32) -> i32 {
    %c0_i32 = arith.constant 0 : i32
    %c0_i32_0 = arith.constant 0 : i32
    return %c0_i32 : i32
  }
  func.func @transform_25(%arg0: i32) -> i32 {
    %c0_i32 = arith.constant 0 : i32
    %c0_i32_0 = arith.constant 0 : i32
    return %c0_i32 : i32
  }
  func.func @transform_26(%arg0: i32) -> (i32, i32) {
    %c0_i32 = arith.constant 0 : i32
    %c0_i32_0 = arith.constant 0 : i32
    %c0_i32_1 = arith.constant 0 : i32
    return %c0_i32, %c0_i32_0 : i32, i32
  }
  func.func @transform_27(%arg0: i32) -> i32 {
    %c0_i32 = arith.constant 0 : i32
    %c0_i32_0 = arith.constant 0 : i32
    return %c0_i32 : i32
  }
  func.func @transform_28(%arg0: i32) -> (i32, i32, i32) {
    %c0_i32 = arith.constant 0 : i32
    %c0_i32_0 = arith.constant 0 : i32
    %c0_i32_1 = arith.constant 0 : i32
    return %arg0, %c0_i32, %c0_i32_0 : i32, i32, i32
  }
}

</mosaic_0001>

<sc_bundles>
// kernel: kernel.4.cloned.1.call-start
scs
__scs_entry_jumppad:
0x0: {  	(pc) =	sbr.rel $0x88, $3  }
0x1: {  	(tag) =	ssettag $0x0;
	lr =	simm.s32 $0x1  }
0x2: {  	[smem:$0x3F83] =	sst lr;
	_ =	strace $0xD0000000  }
0x3: {  	_ = 	snop  }
0x4: {  	_ = 	snop  }
0x5: {  	_ = 	snop  }
0x6: {  	_ = 	snop  }
0x7: {  	_ = 	snop  }
__scs_overlays_trampoline_lowered:
0x8: {  	[smem:$0x3F92] =	sst s0  }
0x9: {  	[smem:$0x3F93] =	sst s1  }
0xa: {  	[smem:$0x3F94] =	sst s2  }
0xb: {  	[smem:$0x3F95] =	sst s3  }
0xc: {  	[smem:$0x3F96] =	sst s4  }
0xd: {  	[smem:$0x3F97] =	sst s5  }
0xe: {  	[smem:$0x3F98] =	sst s6  }
0xf: {  	[smem:$0x3F99] =	sst s7  }
0x10: {  	[smem:$0x3F9A] =	sst s8  }
0x11: {  	[smem:$0x3F9B] =	sst s9;
	s0 =	simm.s32 @!p0 $0x0  }
0x12: {  	s1 =	sld [smem:$0x3F81];
	s0 =	simm.s32 @p0 $0x1  }
0x13: {  	[smem:$0x3F9C] =	sst s0;
	s0 =	simm.s32 @!p1 $0x0  }
0x14: {  	s2 =	sld [smem:$0x3F80];
	s0 =	simm.s32 @p1 $0x1  }
0x15: {  	[smem:$0x3F9D] =	sst s0;
	s0 =	simm.s32 @!p2 $0x0  }
0x16: {  	s3 =	sld [smem:$0x3FDB];
	s0 =	simm.s32 @p2 $0x1  }
0x17: {  	s4 =	simm.s32 $0x1BF5;
	[smem:$0x3F9F] =	sst s0  }
0x18: {  	s0 =	sld [smem:$0x3F82];
	_ =	swait.ge [sflag:s4], $0x0  }
0x19: {  	s7 =	sld [smem:$0x3F83]  }
0x1a: {  	s8 =	sadd.s32 $0xFFFFE003, lr  }
0x1b: {  	s9 =	sadd.s32 $0xFFFFFEF7, lr;
	s5 =	simm.s32 $0xFFFFFFFF;
	p2 =	slt.u32 s8, $0xFFFFF086  }
0x1c: {  	p1 =	slt.u32 s9, $0xF7A;
	s5 =	simm.s32 @!p2 $0x0  }
0x1d: {  	s5 =	simm.s32 @p1 $0x1;
	p0 =	seq.s32 s7, s2  }
0x1e: {  	s7 =	smul.u32 @!p0 $0xF7A, s2;
	p2 =	seq.s32 @!p0 s5, $0x0  }
0x1f: {  	s9 =	smul.u32 $0xF7A, s1;
	s8 =	simm.s32 @!p0 $0x1BF5;
	p2 =	por !p2, p0  }
0x20: {  	[sflag:s8] =	ssyncset.s32 @!p0 $0xFFFFF086;
	s6 =	sadd.s32 @!p0 s3, s7;
	s7 =	simm.s32 @!p0 $0x108  }
0x21: {  	s3 =	sadd.s32 s3, s9;
	s6 =	sadd.s32 @!p0 $0x88, s6;
	s7 =	simm.s32 @p2 $0x1082  }
0x22: {  	[simem:s7], [sflag:s8] =	dma.local @!p0 [hbm:s6], $0xF7A  }
0x23: {  	s9 =	sor.u32 $0xD0000000, s2;
	s6 =	simm.s32 $0x108;
	_ =	swait.ge @!p0 [sflag:s8], $0x0  }
0x24: {  	s3 =	sadd.s32 $0x88, s3;
	s6 =	simm.s32 @!p1 $0x1082;
	[sflag:s4] =	ssyncset.s32 $0xFFFFF086  }
0x25: {  	[simem:s6], [sflag:s4] =	dma.local [hbm:s3], $0xF7A  }
0x26: {  	[smem:$0x3F83] =	sst s1;
	(tag) =	ssettag s2;
	_ =	strace s9  }
0x27: {  	s1 =	sld [smem:$0x3F93]  }
0x28: {  	s2 =	sld [smem:$0x3F94]  }
0x29: {  	s4 =	sld [smem:$0x3F96]  }
0x2a: {  	p0 =	seq.s32 s5, $0x0;
	s5 =	sld [smem:$0x3F97]  }
0x2b: {  	s6 =	sld [smem:$0x3F98]  }
0x2c: {  	s7 =	sld [smem:$0x3F99]  }
0x2d: {  	s3 =	simm.s32 $0x108;
	s8 =	sld [smem:$0x3F9A]  }
0x2e: {  	s3 =	simm.s32 @!p0 $0x1082;
	s9 =	sld [smem:$0x3F9B]  }
0x2f: {  	lr =	sadd.s32 s0, s3;
	s0 =	sld [smem:$0x3F92]  }
0x30: {  	s3 =	sld [smem:$0x3F95]  }
0x31: {  	[smem:$0x3F9E] =	sst s10  }
0x32: {  	s10 =	sld [smem:$0x3F9C];
	_ =	sdelay $0x3  }
0x33: {  	p0 =	seq.s32 s10, $0x1;
	s10 =	sld [smem:$0x3F9E];
	_ =	sdelay $0x3  }
0x34: {  	[smem:$0x3F9E] =	sst s10  }
0x35: {  	s10 =	sld [smem:$0x3F9D];
	_ =	sdelay $0x3  }
0x36: {  	p1 =	seq.s32 s10, $0x1;
	s10 =	sld [smem:$0x3F9E];
	_ =	sdelay $0x3  }
0x37: {  	[smem:$0x3F9E] =	sst s10  }
0x38: {  	s10 =	sld [smem:$0x3F9F]  }
0x39: {  	_ = 	snop;
	(pc) =	sbr.ind lr, $3  }
0x3a: {  	_ = 	snop  }
0x3b: {  	_ = 	snop  }
0x3c: {  	p2 =	seq.s32 s10, $0x1;
	s10 =	sld [smem:$0x3F9E]  }
0x3d: {  	_ =	shalt  }
0x3e: {  	_ =	shalt  }
0x3f: {  	_ =	shalt  }
0x40: {  	_ =	shalt  }
0x41: {  	_ =	shalt  }
0x42: {  	_ =	shalt  }
0x43: {  	_ =	shalt  }
0x44: {  	_ =	shalt  }
0x45: {  	_ =	shalt  }
0x46: {  	_ =	shalt  }
0x47: {  	_ =	shalt  }
0x48: {  	_ =	shalt  }
0x49: {  	_ =	shalt  }
0x4a: {  	_ =	shalt  }
0x4b: {  	_ =	shalt  }
0x4c: {  	_ =	shalt  }
0x4d: {  	_ =	shalt  }
0x4e: {  	_ =	shalt  }
0x4f: {  	_ =	shalt  }
0x50: {  	_ =	shalt  }
0x51: {  	_ =	shalt  }
0x52: {  	_ =	shalt  }
0x53: {  	_ =	shalt  }
0x54: {  	_ =	shalt  }
0x55: {  	_ =	shalt  }
0x56: {  	_ =	shalt  }
0x57: {  	_ =	shalt  }
0x58: {  	_ =	shalt  }
0x59: {  	_ =	shalt  }
0x5a: {  	_ =	shalt  }
0x5b: {  	_ =	shalt  }
0x5c: {  	_ =	shalt  }
0x5d: {  	_ =	shalt  }
0x5e: {  	_ =	shalt  }
0x5f: {  	_ =	shalt  }
0x60: {  	_ =	shalt  }
0x61: {  	_ =	shalt  }
0x62: {  	_ =	shalt  }
0x63: {  	_ =	shalt  }
0x64: {  	_ =	shalt  }
0x65: {  	_ =	shalt  }
0x66: {  	_ =	shalt  }
0x67: {  	_ =	shalt  }
0x68: {  	_ =	shalt  }
0x69: {  	_ =	shalt  }
0x6a: {  	_ =	shalt  }
0x6b: {  	_ =	shalt  }
0x6c: {  	_ =	shalt  }
0x6d: {  	_ =	shalt  }
0x6e: {  	_ =	shalt  }
0x6f: {  	_ =	shalt  }
0x70: {  	_ =	shalt  }
0x71: {  	_ =	shalt  }
0x72: {  	_ =	shalt  }
0x73: {  	_ =	shalt  }
0x74: {  	_ =	shalt  }
0x75: {  	_ =	shalt  }
0x76: {  	_ =	shalt  }
0x77: {  	_ =	shalt  }
0x78: {  	_ =	shalt  }
0x79: {  	_ =	shalt  }
0x7a: {  	_ =	shalt  }
0x7b: {  	_ =	shalt  }
0x7c: {  	_ =	shalt  }
0x7d: {  	_ =	shalt  }
0x7e: {  	_ =	shalt  }
0x7f: {  	_ =	shalt  }
0x80: {  	_ =	shalt  }
0x81: {  	_ =	shalt  }
0x82: {  	_ =	shalt  }
0x83: {  	_ =	shalt  }
0x84: {  	_ =	shalt  }
0x85: {  	_ =	shalt  }
0x86: {  	_ =	shalt  }
0x87: {  	_ =	shalt  }
.Lfunc_end0:
.L_simem_size_0:
called_computation_lowered:
.L_overlay_start_0:
0x88: {  	s2 =	sld [smem:$0x3FD9]  }
0x89: {  	s3 =	sld [smem:$0x3FFE];
	_ =	sdelay $0x1  }
0x8a: {  	s1 =	srdreg.scid  }
0x8b: {  	s0 =	sand.u32 $0x1, s1  }
0x8c: {  	s17 =	sshll.u32 s0, $0xA;
	s2 =	sadd.s32 s3, s2  }
0x8d: {  	s2 =	sadd.s32 s2, s17  }
0x8e: {  	[smem:$0x3FAA] =	sst s2  }
0x8f: {  	_ = 	snop  }
0x90: {  	s2 =	sld [smem:$0x3FC9]  }
0x91: {  	s18 =	sld [smem:$0x3FC5]  }
0x92: {  	s4 =	sld [smem:$0x3FC3]  }
0x93: {  	s5 =	sld [smem:$0x3FC2];
	(tm) =	ssettm $0x1  }
0x94: {  	s6 =	sld [smem:$0x3FFB];
	_ =	sdelay $0x3  }
0x95: {  	_ =	strace s6  }
0x96: {  	s6 =	sld [smem:$0x3FFC];
	_ =	sdelay $0x3  }
0x97: {  	_ =	strace s6  }
0x98: {  	s6 =	sld [smem:$0x3FFD];
	_ =	sdelay $0x3  }
0x99: {  	_ =	strace s6  }
0x9a: {  	_ =	strace $0x8FFFFFFF  }
0x9b: {  	s19 =	sld [smem:$0x3FDB];
	_ =	sdelay $0x1  }
0x9c: {  	s7 =	simm.s32 $_scs_section_size  }
0x9d: {  	s8 =	simm.s32 $_size__tile_overlayer_lowered;
	s9 =	simm.s32 $_tile_overlayer_lowered  }
0x9e: {  	s22 =	simm.s32 $0x1BFF;
	s21 =	sshll.u32 s9, $0x1;
	s6 =	sadd.s32 s7, s19  }
0x9f: {  	s10 =	simm.s32 $0x0;
	s20 =	sshll.u32 s8, $0x1;
	s8 =	sadd.s32 s21, s6  }
0xa0: {  	[timem:s10], [sflag:s22] =	dma.local [hbm:s8], s20  }
0xa1: {  	_ =	swait.ge [sflag:s22], s20  }
0xa2: {  	s7 =	ssub.s32 $0x0, s20;
	[sflag:s22] =	ssyncset.done $0x0  }
0xa3: {  	[sflag:s22] =	ssyncadd.s32 s7;
	_ =	sdelay $0x1  }
0xa4: {  	s23 =	simm.s32 $0x1B8B  }
0xa5: {  	_ =	swait.ge [sflag:s23], $0x1  }
0xa6: {  	[sflag:s23] =	ssyncset.done $0x0  }
0xa7: {  	s25 =	simm.s32 $0x1B8E;
	s24 =	sld [smem:$0x3FFE];
	[sflag:s23] =	ssyncadd.s32 $0xFFFFFFFF  }
0xa8: {  	s26 =	simm.s32 $execute0_lowered;
	[smem:$0x3FD2] =	sst s25  }
0xa9: {  	s8 =	sshll.u32 s26, $0x1;
	_ =	strace $0x80000046;
	[dreg:$0x1] =	wrdreg $0xFFFFFFFF  }
0xaa: {  	s28 =	simm.s32 $_size_execute0_lowered;
	s6 =	sadd.s32 s6, s8;
	[dreg:$0x0] =	wrdreg $0x0  }
0xab: {  	s8 =	sshll.u32 s28, $0x1;
	[dreg:$0x2] =	wrdreg s6  }
0xac: {  	[dreg:$0x3] =	wrdreg s8  }
0xad: {  	[dreg:$0x4] =	wrdreg $0xC0  }
0xae: {  	_ =	task [dreg:s10], $0x5FFFF  }
0xaf: {  	[dreg:$0x1] =	wrdreg $0xFFFFFFFF  }
0xb0: {  	[dreg:$0x0] =	wrdreg $0x60  }
0xb1: {  	[dreg:$0x2] =	wrdreg s2  }
0xb2: {  	[dreg:$0x3] =	wrdreg s18  }
0xb3: {  	[dreg:$0x4] =	wrdreg s4  }
0xb4: {  	[dreg:$0x5] =	wrdreg s5  }
0xb5: {  	[dreg:$0x6] =	wrdreg s24  }
0xb6: {  	[dreg:$0x7] =	wrdreg $0x9  }
0xb7: {  	_ =	task.clear_ibuf [dreg:s10], $0x8FFFF;
	_ =	strace $0x90000046  }
0xb8: {  	s29 =	simm.s32 $0x9;
	_ =	strace $0x80000048  }
0xb9: {  	_ =	swait.ge [sflag:s29], $0x1  }
0xba: {  	[sflag:s29] =	ssyncadd.s32 $0xFFFFFFFF  }
0xbb: {  	_ =	strace $0x90000048  }
0xbc: {  	_ =	sfence  }
0xbd: {  	s30 =	sld [smem:$0x0];
	_ =	sdelay $0x2  }
0xbe: {  	s31 =	sshll.u32 s1, $0xD;
	s1 =	sshrl.u32 s1, $0x2  }
0xbf: {  	s3 =	sand.u32 $0x4000, s31;
	s1 =	sadd.s32 s1, s30  }
0xc0: {  	s0 =	sor.u32 s3, s0;
	s1 =	sshll.u32 s1, $0x11  }
0xc1: {  	s0 =	sor.u32 s1, s0  }
0xc2: {  	s0 =	sadd.s32 $0x8F2B, s0  }
0xc3: {  	[sflag:s0] =	ssyncadd.remote.s32 $0x1  }
0xc4: {  	_ =	sfence.sel $0xFFFF  }
0xc5: {  	[dreg:$0x0] =	wrdreg $0xFFFFFFFF;
	(pc) =	sbr.abs _section_cstart, $3  }
0xc6: {  	[dreg:$0x1] =	wrdreg $0xFFFFFFFF  }
0xc7: {  	_ =	task.clear_ibuf [dreg:s10], $0x2FFFF;
	_ =	strace $0x9FFFFFFF  }
0xc8: {  	(tm) =	ssettm $0x7FFFFFFF  }
0xc9: {  	_ =	shalt  }
tec
execute0_lowered:
.L_overlay_start_1:
0x0: {  	(tag) =	ssettag $0x1  }
0x1: {  	s5 =	rddreg [dreg:$0x0]  }
0x2: {  	s6 =	rddreg [dreg:$0x1];
	s2 =	srdreg.scid  }
0x3: {  	s1 =	rddreg [dreg:$0x2];
	s0 =	stileid.u32;
	s13 =	sand.u32 $0x1, s2  }
0x4: {  	s3 =	rddreg [dreg:$0x3];
	s7 =	sshll.u32 s0, $0x8;
	s8 =	sshll.u32 s13, $0x7  }
0x5: {  	s12 =	rddreg [dreg:$0x4];
	s4 =	simm.s32 $0x0;
	s14 =	sor.u32 s8, s7  }
0x6: {  	[smem:$0x7FF] =	sst s4;
	s7 =	sshrl.u32 s14, $0x3  }
0x7: {  	s2 =	rddreg [dreg:$0x5];
	_ =	strace $0x80000047;
	s5 =	sadd.s32 s5, s7  }
0x8: {  	[tilespmem:s4], [sflag:$0x1] =	stream.linear.gather [hbm4b:s5+s4], $0x80, $0x38;
	[tilespmem:$0x8100] =	vst v63  }
0x9: {  	s8 =	simm.s32 $0x1;
	s6 =	sadd.s32 s6, s7;
	s7 =	simm.s32 $0x80  }
0xa: {  	[tilespmem:s7], [sflag:$0x2] =	stream.linear.gather [hbm4b:s6+s4], $0x80, $0x38;
	[tilespmem:$0x8100] =	vst v63  }
0xb: {  	_ =	swait.ge [sflag:s8], $0x80  }
0xc: {  	[sflag:s8] =	ssyncset.done $0x0  }
0xd: {  	s9 =	simm.s32 $0x100;
	s10 =	simm.s32 $0x2;
	[sflag:s8] =	ssyncadd.s32 $0xFFFFFF80  }
0xe: {  	[tilespmem:s9], [sflag:$0x1] =	stream.indirect.gather [hbm4b:s1+s7], $0x80, s4, s7, $0xb8;
	[tilespmem:$0x8100] =	vst v63  }
0xf: {  	_ =	swait.ge [sflag:s10], $0x80  }
0x10: {  	[sflag:s10] =	ssyncset.done $0x0  }
0x11: {  	s11 =	simm.s32 $0x4100;
	[sflag:s10] =	ssyncadd.s32 $0xFFFFFF80  }
0x12: {  	[tilespmem:s11], [sflag:$0x2] =	stream.indirect.gather [hbm4b:s3+s7], $0x80, s7, s7, $0xb8;
	[tilespmem:$0x8100] =	vst v63  }
0x13: {  	s14 =	sshll.u32 s14, $0x4;
	_ =	swait.ge [sflag:s8], $0x4000  }
0x14: {  	s15 =	ssub.s32 $0x2, s13;
	s14 =	sadd.s32 s14, s12;
	[sflag:s8] =	ssyncset.done $0x0  }
0x15: {  	s16 =	sshrl.u32 s15, $0x1;
	s12 =	sadd.s32 $0x4000, s14;
	[sflag:s8] =	ssyncadd.s32 $0xFFFFC000  }
0x16: {  	[hbm4b:s12+s4] =	stream.linear.scatter [tilespmem:s9], [sflag:$0x3], $0x4000, $0x38;
	[tilespmem:$0x8100] =	vst v63  }
0x17: {  	s15 =	ssub.s32 s15, s16;
	_ =	swait.ge [sflag:s10], $0x4000  }
0x18: {  	s13 =	simm.s32 $0x3;
	s15 =	smax.u32 s15, $0x1;
	[sflag:s10] =	ssyncset.done $0x0  }
0x19: {  	s14 =	sadd.s32 $0x14000, s14;
	p0 =	sne.s32 s15, $0x1;
	[sflag:s10] =	ssyncadd.s32 $0xFFFFC000  }
0x1a: {  	[hbm4b:s14+s4] =	stream.linear.scatter [tilespmem:s11], [sflag:$0x3], $0x4000, $0x38;
	[tilespmem:$0x8100] =	vst v63  }
.Ltmp0:
0x1b: {  	_ =	swait.ge [sflag:s13], $0x4000;
	(pc) =	sbr.rel @!p0 .LBB2_2-.Ltmp0, $4  }
0x1c: {  	[sflag:s13] =	ssyncset.done $0x0  }
0x1d: {  	[sflag:s13] =	ssyncadd.s32 $0xFFFFC000  }
0x1e: {  	_ =	swait.ge [sflag:s13], $0x4000  }
0x1f: {  	s15 =	sadd.s32 $0xFFFFFFFF, s15;
	[sflag:s13] =	ssyncset.done $0x0  }
.LBB2_1:
0x20: {  	p0 =	sne.s32 s15, $0x1;
	s15 =	sadd.s32 $0xFFFFFFFF, s15;
	[sflag:s13] =	ssyncadd.s32 $0xFFFFC000  }
0x21: {  	[tilespmem:s4], [sflag:$0x1] =	stream.linear.gather [hbm4b:s5+s4], $0x80, $0x38;
	[tilespmem:$0x8100] =	vst v63  }
0x22: {  	_ = 	snop  }
0x23: {  	[tilespmem:s7], [sflag:$0x2] =	stream.linear.gather [hbm4b:s6+s4], $0x80, $0x38;
	[tilespmem:$0x8100] =	vst v63  }
0x24: {  	_ =	swait.ge [sflag:s8], $0x80  }
0x25: {  	[sflag:s8] =	ssyncset.done $0x0  }
0x26: {  	[sflag:s8] =	ssyncadd.s32 $0xFFFFFF80  }
0x27: {  	[tilespmem:s9], [sflag:$0x1] =	stream.indirect.gather [hbm4b:s1+s7], $0x80, s4, s7, $0xb8;
	[tilespmem:$0x8100] =	vst v63  }
0x28: {  	_ =	swait.ge [sflag:s10], $0x80  }
0x29: {  	[sflag:s10] =	ssyncset.done $0x0  }
0x2a: {  	[sflag:s10] =	ssyncadd.s32 $0xFFFFFF80  }
0x2b: {  	[tilespmem:s11], [sflag:$0x2] =	stream.indirect.gather [hbm4b:s3+s7], $0x80, s7, s7, $0xb8;
	[tilespmem:$0x8100] =	vst v63  }
0x2c: {  	_ =	swait.ge [sflag:s8], $0x4000  }
0x2d: {  	[sflag:s8] =	ssyncset.done $0x0  }
0x2e: {  	[sflag:s8] =	ssyncadd.s32 $0xFFFFC000  }
0x2f: {  	[hbm4b:s12+s4] =	stream.linear.scatter [tilespmem:s9], [sflag:$0x3], $0x4000, $0x38;
	[tilespmem:$0x8100] =	vst v63  }
0x30: {  	_ =	swait.ge [sflag:s10], $0x4000  }
0x31: {  	[sflag:s10] =	ssyncset.done $0x0  }
0x32: {  	[sflag:s10] =	ssyncadd.s32 $0xFFFFC000  }
0x33: {  	[hbm4b:s14+s4] =	stream.linear.scatter [tilespmem:s11], [sflag:$0x3], $0x4000, $0x38;
	[tilespmem:$0x8100] =	vst v63  }
.Ltmp1:
0x34: {  	_ =	swait.ge [sflag:s13], $0x4000;
	(pc) =	sbr.rel @p0 .LBB2_1-.Ltmp1, $4  }
0x35: {  	[sflag:s13] =	ssyncset.done $0x0  }
0x36: {  	[sflag:s13] =	ssyncadd.s32 $0xFFFFC000  }
0x37: {  	_ =	swait.ge [sflag:s13], $0x4000  }
0x38: {  	[sflag:s13] =	ssyncset.done $0x0  }
.LBB2_2:
0x39: {  	[sflag:s13] =	ssyncadd.s32 $0xFFFFC000  }
0x3a: {  	_ =	sfence.sel $0x180000  }
0x3b: {  	[bflag:$0x0] =	sbarrier.arrive $0xFFFF  }
0x3c: {  	p0 =	sne.s32 s0, $0x0;
	_ =	strace $0x90000047  }
0x3d: {  	s0 =	sadd.s32 @!p0 $0x100000, s2;
	[bflag:$0x2] =	sbarrier.arrive $0xFFFF  }
0x3e: {  	[sflag:s0] =	ssyncadd.tile.s32 @!p0 $0x1;
	_ =	shalt  }
.Lfunc_end2:
_tile_overlayer_lowered:
.L_overlay_start_2:
0x3f: {  	(tag) =	ssettag $0x2  }
0x40: {  	s0 =	rddreg [dreg:$0x0];
	s2 =	stileid.u32  }
0x41: {  	s1 =	rddreg [dreg:$0x1];
	p0 =	sne.s32 s2, $0x0  }
0x42: {  	s3 =	rddreg [dreg:$0x2];
	[bflag:$0x3] =	sbarrier.arrive $0xFFFF;
	s2 =	simm.s32 @!p0 $0x1C04  }
0x43: {  	[timem:s3], [sflag:s2] =	dma.local @!p0 [hbm:s0], s1  }
0x44: {  	s0 =	simm.s32 @!p0 $0x4  }
0x45: {  	_ =	swait.ge @!p0 [sflag:s0], s1  }
0x46: {  	s1 =	ssub.s32 @!p0 $0x0, s1;
	[sflag:s0] =	ssyncset.done @!p0 $0x0  }
0x47: {  	[sflag:s0] =	ssyncadd.s32 @!p0 s1  }
0x48: {  	[bflag:$0x3] =	sbarrier.arrive $0xFFFF  }
0x49: {  	_ =	shalt  }

</sc_bundles>
